<compile_context>
chip_gen: v7x
topology: tpu7x:2x2x1
jax: 0.10.2.dev20260603
libtpu: 0.0.44.dev20260713+nightly
codegen_flags: <defaults>
</compile_context>

<pallas_src>
import jax
import jax.numpy as jnp
from jax import lax
from jax.experimental import pallas as pl
from jax.experimental.pallas import tpu as pltpu
from jax.experimental.pallas import tpu_sc as plsc
from jax._src.pallas import mpmd as _mpmd

B, H, W, NSRC = 8, 2048, 2048, 128

NC, NS, L = 2, 16, 16
NW = NC * NS
EPW = (B * NSRC) // NW
BPW = NSRC // EPW


def _sc_rmw_body(y_in, xrow, ycol, xamp, out_hbm,
                 idx_v, rows_v, xv_r, yv, xv, sem, sem_s):
    del y_in
    w = lax.axis_index("s") * NC + lax.axis_index("c")
    b = w // BPW
    base_i = (w % BPW) * EPW
    pltpu.sync_copy(xrow.at[pl.ds(base_i, EPW)], xv_r)
    iot = lax.iota(jnp.int32, L)
    for ch in range(EPW // L):
        xk = xv_r[pl.ds(ch * L, L)]
        idx_v[ch, :] = b * H + xk
    gathers = [
        pltpu.async_copy(out_hbm.at[idx_v.at[h]],
                         rows_v.at[pl.ds(h * L, L)], sem)
        for h in range(EPW // L)
    ]
    pltpu.sync_copy(ycol.at[pl.ds(base_i, EPW)], yv)
    pltpu.sync_copy(xamp.at[pl.ds(base_i, EPW)], xv)
    scatters = []
    for ch in range(EPW // L):
        gathers[ch].wait()
        jv = iot + ch * L
        yk = yv[pl.ds(ch * L, L)]
        ak = xv[pl.ds(ch * L, L)]
        vals = plsc.load_gather(rows_v, [jv, yk])
        plsc.store_scatter(rows_v, [jv, yk], vals + ak)
        scatters.append(
            pltpu.async_copy(rows_v.at[pl.ds(ch * L, L)],
                             out_hbm.at[idx_v.at[ch]], sem_s))
    for s_cp in scatters:
        s_cp.wait()


def kernel(Y, X, x, y):
    mesh = plsc.VectorSubcoreMesh(core_axis_name="c", subcore_axis_name="s")
    out = _mpmd._mpmd_map(
        [(mesh, _sc_rmw_body)],
        out_types=jax.ShapeDtypeStruct((B * H, W), jnp.float32),
        input_output_aliases={0: 0},
        scratch_types=[
            pltpu.VMEM((EPW // L, L), jnp.int32),
            pltpu.VMEM((EPW, W), jnp.float32),
            pltpu.VMEM((EPW,), jnp.int32),
            pltpu.VMEM((EPW,), jnp.int32),
            pltpu.VMEM((EPW,), jnp.float32),
            pltpu.SemaphoreType.DMA,
            pltpu.SemaphoreType.DMA,
        ],
        compiler_params=pltpu.CompilerParams(needs_layout_passes=False),
    )(Y.reshape(B * H, W), x, y, X)
    return out.reshape(B, H, W)

# --- scband reference (transcript-rebuilt; emitter-appended) ---
"""Pipeline reference for scband-wave-source-47502338294076 (READ-ONLY COPY).

The authoritative reference and input builder live on the scoring server;
editing this copy changes nothing except your own understanding.
"""

import jax, jax.numpy as jnp
import numpy as np

B, H, W, NSRC = 8, 2048, 2048, 128

def setup_inputs(seed: int = 0) -> dict:
    key = jax.random.key(seed)
    k1, k2 = jax.random.split(key)
    Y = jax.random.normal(k1, (B, H, W), dtype=jnp.float32)
    X = jax.random.normal(k2, (NSRC,), dtype=jnp.float32)
    x = (jnp.arange(NSRC) * 16).astype(jnp.int32)
    y = (jnp.arange(NSRC) * 16 + 8).astype(jnp.int32)
    return {"Y": Y, "X": X, "x": x, "y": y}

def reference(Y, X, x, y):
    dt = 1.0
    # Y[:, x, y] = Y[:, x, y] + dt**2 * X.expand_as(Y[:, x, y])
    gathered = Y[:, x, y]                              # [B, NSRC] gather
    src = jnp.broadcast_to(X, gathered.shape)          # expand_as
    vals = gathered + (dt ** 2) * src
    Y_out = Y.at[:, x, y].set(vals)                    # scatter-overwrite
    return Y_out

if __name__ == "__main__":
    import jax
    _d = setup_inputs()
    print(jax.jit(kernel)(*tuple(_d.values())))

</pallas_src>

<mosaic_0001>
#map = affine_map<(d0, d1) -> (0, 0)>
#map1 = affine_map<(d0, d1) -> (0)>
module attributes {stable_mosaic.version = 14 : i64} {
  func.func @_sc_rmw_body(%arg0: i32, %arg1: i32, %arg2: memref<16384x2048xf32, #tpu.memory_space<hbm>>, %arg3: memref<128xi32, #tpu.memory_space<hbm>>, %arg4: memref<128xi32, #tpu.memory_space<hbm>>, %arg5: memref<128xf32, #tpu.memory_space<hbm>>, %arg6: memref<16384x2048xf32, #tpu.memory_space<hbm>>, %arg7: memref<2x16xi32, #tpu.memory_space<vmem>>, %arg8: memref<32x2048xf32, #tpu.memory_space<vmem>>, %arg9: memref<32xi32, #tpu.memory_space<vmem>>, %arg10: memref<32xi32, #tpu.memory_space<vmem>>, %arg11: memref<32xf32, #tpu.memory_space<vmem>>, %arg12: memref<!tpu.dma_semaphore, #tpu.memory_space<semaphore_mem>>, %arg13: memref<!tpu.dma_semaphore, #tpu.memory_space<semaphore_mem>>) attributes {dimension_semantics = [#tpu.dimension_semantics<core_parallel>, #tpu.dimension_semantics<subcore_parallel>], iteration_bounds = array<i64: 2, 16>, scalar_prefetch = 0 : i64, scratch_operands = 7 : i64, tpu.core_type = #tpu.core_type<sc_vector_subcore>, window_params = [{transform_indices = #map}, {transform_indices = #map1}, {transform_indices = #map1}, {transform_indices = #map1}, {transform_indices = #map}]} {
    %mul3A = arith.constant 2 : i32
    %mul3A_0 = arith.muli %arg1, %mul3A : i32
    %add3A = arith.addi %mul3A_0, %arg0 : i32
    %jit3A = arith.constant 4 : i32
    %div3A = arith.divsi %add3A, %jit3A : i32
    %sign3A = arith.constant 0 : i32
    %sign3A_1 = arith.cmpi sgt, %add3A, %sign3A : i32
    %sign3A_2 = arith.extui %sign3A_1 : i1 to i32
    %sign3A_3 = arith.constant 0 : i32
    %sign3A_4 = arith.cmpi slt, %add3A, %sign3A_3 : i32
    %sign3A_5 = arith.extui %sign3A_4 : i1 to i32
    %sign3A_6 = arith.subi %sign3A_2, %sign3A_5 : i32
    %sign3A_7 = arith.constant 0 : i32
    %sign3A_8 = arith.cmpi sgt, %jit3A, %sign3A_7 : i32
    %sign3A_9 = arith.extui %sign3A_8 : i1 to i32
    %sign3A_10 = arith.constant 0 : i32
    %sign3A_11 = arith.cmpi slt, %jit3A, %sign3A_10 : i32
    %sign3A_12 = arith.extui %sign3A_11 : i1 to i32
    %sign3A_13 = arith.subi %sign3A_9, %sign3A_12 : i32
    %ne3A = arith.cmpi ne, %sign3A_6, %sign3A_13 : i32
    %rem3A = arith.remsi %add3A, %jit3A : i32
    %ne3A_14 = arith.constant 0 : i32
    %ne3A_15 = arith.cmpi ne, %rem3A, %ne3A_14 : i32
    %and3A = arith.andi %ne3A, %ne3A_15 : i1
    %sub3A = arith.constant 1 : i32
    %sub3A_16 = arith.subi %div3A, %sub3A : i32
    %select_n3A = arith.select %and3A, %sub3A_16, %div3A : i32
    %jit3A_17 = arith.constant 4 : i32
    %eq3A = arith.constant 0 : i32
    %eq3A_18 = arith.cmpi eq, %jit3A_17, %eq3A : i32
    %jit3A_19 = arith.constant 1 : i32
    %select_n3A_20 = arith.select %eq3A_18, %jit3A_19, %jit3A_17 : i32
    %rem3A_21 = arith.remsi %add3A, %select_n3A_20 : i32
    %ne3A_22 = arith.constant 0 : i32
    %ne3A_23 = arith.cmpi ne, %rem3A_21, %ne3A_22 : i32
    %lt3A = arith.constant 0 : i32
    %lt3A_24 = arith.cmpi slt, %rem3A_21, %lt3A : i32
    %lt3A_25 = arith.constant 0 : i32
    %lt3A_26 = arith.cmpi slt, %select_n3A_20, %lt3A_25 : i32
    %ne3A_27 = arith.xori %lt3A_24, %lt3A_26 : i1
    %and3A_28 = arith.andi %ne3A_27, %ne3A_23 : i1
    %add3A_29 = arith.addi %rem3A_21, %select_n3A_20 : i32
    %select_n3A_30 = arith.select %and3A_28, %add3A_29, %rem3A_21 : i32
    %mul3A_31 = arith.constant 32 : i32
    %mul3A_32 = arith.muli %select_n3A_30, %mul3A_31 : i32
    "tpu.region"() ({
      %run_scoped3A = tpu.sem_alloc : memref<!tpu.dma_semaphore, #tpu.memory_space<semaphore_mem>>
      %dma_start3A_146 = tpu.memref_slice %arg3[%mul3A_32] : memref<128xi32, #tpu.memory_space<hbm>> -> memref<32xi32, #tpu.memory_space<hbm>>
      %dma_start3A_147 = tpu.memref_slice %arg3[%mul3A_32] : memref<128xi32, #tpu.memory_space<hbm>> -> memref<32xi32, #tpu.memory_space<hbm>>
      tpu.enqueue_dma source(%dma_start3A_147 : memref<32xi32, #tpu.memory_space<hbm>>) target(%arg9 : memref<32xi32, #tpu.memory_space<vmem>>) target_semaphore(%run_scoped3A : memref<!tpu.dma_semaphore, #tpu.memory_space<semaphore_mem>>)
      %dma_wait3A_148 = tpu.memref_slice %arg3[%mul3A_32] : memref<128xi32, #tpu.memory_space<hbm>> -> memref<32xi32, #tpu.memory_space<hbm>>
      %dma_wait3A_149 = tpu.memref_slice %arg3[%mul3A_32] : memref<128xi32, #tpu.memory_space<hbm>> -> memref<32xi32, #tpu.memory_space<hbm>>
      tpu.wait_dma2 semaphore(%run_scoped3A : memref<!tpu.dma_semaphore, #tpu.memory_space<semaphore_mem>>) src(%dma_wait3A_149 : memref<32xi32, #tpu.memory_space<hbm>>) dst(%arg9 : memref<32xi32, #tpu.memory_space<vmem>>)
      tpu.yield
    }) : () -> ()
    %iota3A = tpu.iota {dimensions = array<i32: 0>} : vector<16xi32>
    %get3A = arith.constant 0 : index
    %get3A_33 = tpu.vector_load %arg9[%get3A] {strides = array<i32>} : memref<32xi32, #tpu.memory_space<vmem>>, vector<16xi32>,
    %mul3A_34 = arith.constant 2048 : i32
    %mul3A_35 = arith.muli %select_n3A, %mul3A_34 : i32
    %add3A_36 = vector.broadcast %mul3A_35 : i32 to vector<16xi32>
    %add3A_37 = arith.addi %add3A_36, %get3A_33 : vector<16xi32>
    %swap3A = arith.constant 0 : i32
    %swap3A_38 = arith.index_cast %swap3A : i32 to index
    %swap3A_39 = arith.constant 0 : index
    %swap3A_40 = tpu.vector_load %arg7[%swap3A_38, %swap3A_39] {strides = array<i32>} : memref<2x16xi32, #tpu.memory_space<vmem>>, vector<16xi32>,
    tpu.vector_store %arg7[%swap3A_38, %swap3A_39], %add3A_37 {strides = array<i32>} : memref<2x16xi32, #tpu.memory_space<vmem>>, vector<16xi32>,
    %get3A_41 = arith.constant 16 : index
    %get3A_42 = tpu.vector_load %arg9[%get3A_41] {strides = array<i32>} : memref<32xi32, #tpu.memory_space<vmem>>, vector<16xi32>,
    %mul3A_43 = arith.constant 2048 : i32
    %mul3A_44 = arith.muli %select_n3A, %mul3A_43 : i32
    %add3A_45 = vector.broadcast %mul3A_44 : i32 to vector<16xi32>
    %add3A_46 = arith.addi %add3A_45, %get3A_42 : vector<16xi32>
    %swap3A_47 = arith.constant 1 : i32
    %swap3A_48 = arith.index_cast %swap3A_47 : i32 to index
    %swap3A_49 = arith.constant 0 : index
    %swap3A_50 = tpu.vector_load %arg7[%swap3A_48, %swap3A_49] {strides = array<i32>} : memref<2x16xi32, #tpu.memory_space<vmem>>, vector<16xi32>,
    tpu.vector_store %arg7[%swap3A_48, %swap3A_49], %add3A_46 {strides = array<i32>} : memref<2x16xi32, #tpu.memory_space<vmem>>, vector<16xi32>,
    %dma_start3A = arith.constant 0 : i32
    %dma_start3A_51 = arith.constant 0 : i32
    %dma_start3A_52 = arith.constant 0 : i32
    %dma_start3A_53 = tpu.memref_slice %arg8[%dma_start3A_51, %dma_start3A_52] : memref<32x2048xf32, #tpu.memory_space<vmem>> -> memref<16x2048xf32, #tpu.memory_space<vmem>>
    %dma_start3A_54 = arith.constant 0 : i32
    %dma_start3A_55 = tpu.memref_slice %arg7[%dma_start3A, %dma_start3A_54] : memref<2x16xi32, #tpu.memory_space<vmem>> -> memref<1x16xi32, #tpu.memory_space<vmem>>
    %dma_start3A_56 = tpu.memref_squeeze %dma_start3A_55 : memref<1x16xi32, #tpu.memory_space<vmem>> -> memref<16xi32, #tpu.memory_space<vmem>>
    %dma_start3A_57 = arith.constant 0 : i32
    %dma_start3A_58 = arith.constant 0 : i32
    %dma_start3A_59 = tpu.memref_slice %arg6[%dma_start3A_57, %dma_start3A_58] : memref<16384x2048xf32, #tpu.memory_space<hbm>> -> memref<16384x2048xf32, #tpu.memory_space<hbm>>
    tpu.enqueue_indirect_dma source(%dma_start3A_59 : memref<16384x2048xf32, #tpu.memory_space<hbm>>) target(%dma_start3A_53 : memref<16x2048xf32, #tpu.memory_space<vmem>>) offsets(%dma_start3A_56 : memref<16xi32, #tpu.memory_space<vmem>>) semaphore(%arg12 : memref<!tpu.dma_semaphore, #tpu.memory_space<semaphore_mem>>)
    %dma_start3A_60 = arith.constant 1 : i32
    %dma_start3A_61 = arith.constant 16 : i32
    %dma_start3A_62 = arith.constant 0 : i32
    %dma_start3A_63 = tpu.memref_slice %arg8[%dma_start3A_61, %dma_start3A_62] : memref<32x2048xf32, #tpu.memory_space<vmem>> -> memref<16x2048xf32, #tpu.memory_space<vmem>>
    %dma_start3A_64 = arith.constant 0 : i32
    %dma_start3A_65 = tpu.memref_slice %arg7[%dma_start3A_60, %dma_start3A_64] : memref<2x16xi32, #tpu.memory_space<vmem>> -> memref<1x16xi32, #tpu.memory_space<vmem>>
    %dma_start3A_66 = tpu.memref_squeeze %dma_start3A_65 : memref<1x16xi32, #tpu.memory_space<vmem>> -> memref<16xi32, #tpu.memory_space<vmem>>
    %dma_start3A_67 = arith.constant 0 : i32
    %dma_start3A_68 = arith.constant 0 : i32
    %dma_start3A_69 = tpu.memref_slice %arg6[%dma_start3A_67, %dma_start3A_68] : memref<16384x2048xf32, #tpu.memory_space<hbm>> -> memref<16384x2048xf32, #tpu.memory_space<hbm>>
    tpu.enqueue_indirect_dma source(%dma_start3A_69 : memref<16384x2048xf32, #tpu.memory_space<hbm>>) target(%dma_start3A_63 : memref<16x2048xf32, #tpu.memory_space<vmem>>) offsets(%dma_start3A_66 : memref<16xi32, #tpu.memory_space<vmem>>) semaphore(%arg12 : memref<!tpu.dma_semaphore, #tpu.memory_space<semaphore_mem>>)
    "tpu.region"() ({
      %run_scoped3A = tpu.sem_alloc : memref<!tpu.dma_semaphore, #tpu.memory_space<semaphore_mem>>
      %dma_start3A_146 = tpu.memref_slice %arg4[%mul3A_32] : memref<128xi32, #tpu.memory_space<hbm>> -> memref<32xi32, #tpu.memory_space<hbm>>
      %dma_start3A_147 = tpu.memref_slice %arg4[%mul3A_32] : memref<128xi32, #tpu.memory_space<hbm>> -> memref<32xi32, #tpu.memory_space<hbm>>
      tpu.enqueue_dma source(%dma_start3A_147 : memref<32xi32, #tpu.memory_space<hbm>>) target(%arg10 : memref<32xi32, #tpu.memory_space<vmem>>) target_semaphore(%run_scoped3A : memref<!tpu.dma_semaphore, #tpu.memory_space<semaphore_mem>>)
      %dma_wait3A_148 = tpu.memref_slice %arg4[%mul3A_32] : memref<128xi32, #tpu.memory_space<hbm>> -> memref<32xi32, #tpu.memory_space<hbm>>
      %dma_wait3A_149 = tpu.memref_slice %arg4[%mul3A_32] : memref<128xi32, #tpu.memory_space<hbm>> -> memref<32xi32, #tpu.memory_space<hbm>>
      tpu.wait_dma2 semaphore(%run_scoped3A : memref<!tpu.dma_semaphore, #tpu.memory_space<semaphore_mem>>) src(%dma_wait3A_149 : memref<32xi32, #tpu.memory_space<hbm>>) dst(%arg10 : memref<32xi32, #tpu.memory_space<vmem>>)
      tpu.yield
    }) : () -> ()
    "tpu.region"() ({
      %run_scoped3A = tpu.sem_alloc : memref<!tpu.dma_semaphore, #tpu.memory_space<semaphore_mem>>
      %dma_start3A_146 = tpu.memref_slice %arg5[%mul3A_32] : memref<128xf32, #tpu.memory_space<hbm>> -> memref<32xf32, #tpu.memory_space<hbm>>
      %dma_start3A_147 = tpu.memref_slice %arg5[%mul3A_32] : memref<128xf32, #tpu.memory_space<hbm>> -> memref<32xf32, #tpu.memory_space<hbm>>
      tpu.enqueue_dma source(%dma_start3A_147 : memref<32xf32, #tpu.memory_space<hbm>>) target(%arg11 : memref<32xf32, #tpu.memory_space<vmem>>) target_semaphore(%run_scoped3A : memref<!tpu.dma_semaphore, #tpu.memory_space<semaphore_mem>>)
      %dma_wait3A_148 = tpu.memref_slice %arg5[%mul3A_32] : memref<128xf32, #tpu.memory_space<hbm>> -> memref<32xf32, #tpu.memory_space<hbm>>
      %dma_wait3A_149 = tpu.memref_slice %arg5[%mul3A_32] : memref<128xf32, #tpu.memory_space<hbm>> -> memref<32xf32, #tpu.memory_space<hbm>>
      tpu.wait_dma2 semaphore(%run_scoped3A : memref<!tpu.dma_semaphore, #tpu.memory_space<semaphore_mem>>) src(%dma_wait3A_149 : memref<32xf32, #tpu.memory_space<hbm>>) dst(%arg11 : memref<32xf32, #tpu.memory_space<vmem>>)
      tpu.yield
    }) : () -> ()
    %dma_wait3A = arith.constant 0 : i32
    %dma_wait3A_70 = arith.constant 0 : i32
    %dma_wait3A_71 = arith.constant 0 : i32
    %dma_wait3A_72 = tpu.memref_slice %arg8[%dma_wait3A_70, %dma_wait3A_71] : memref<32x2048xf32, #tpu.memory_space<vmem>> -> memref<16x2048xf32, #tpu.memory_space<vmem>>
    %dma_wait3A_73 = arith.constant 0 : i32
    %dma_wait3A_74 = tpu.memref_slice %arg7[%dma_wait3A, %dma_wait3A_73] : memref<2x16xi32, #tpu.memory_space<vmem>> -> memref<1x16xi32, #tpu.memory_space<vmem>>
    %dma_wait3A_75 = tpu.memref_squeeze %dma_wait3A_74 : memref<1x16xi32, #tpu.memory_space<vmem>> -> memref<16xi32, #tpu.memory_space<vmem>>
    %dma_wait3A_76 = arith.constant 0 : i32
    %dma_wait3A_77 = arith.constant 0 : i32
    %dma_wait3A_78 = tpu.memref_slice %arg6[%dma_wait3A_76, %dma_wait3A_77] : memref<16384x2048xf32, #tpu.memory_space<hbm>> -> memref<16384x2048xf32, #tpu.memory_space<hbm>>
    tpu.wait_indirect_dma semaphore(%arg12 : memref<!tpu.dma_semaphore, #tpu.memory_space<semaphore_mem>>) src(%dma_wait3A_78 : memref<16384x2048xf32, #tpu.memory_space<hbm>>) dst(%dma_wait3A_72 : memref<16x2048xf32, #tpu.memory_space<vmem>>)
    %add3A_79 = arith.constant 0 : i32
    %add3A_80 = vector.broadcast %add3A_79 : i32 to vector<16xi32>
    %add3A_81 = arith.addi %iota3A, %add3A_80 : vector<16xi32>
    %get3A_82 = arith.constant 0 : index
    %get3A_83 = tpu.vector_load %arg10[%get3A_82] {strides = array<i32>} : memref<32xi32, #tpu.memory_space<vmem>>, vector<16xi32>,
    %get3A_84 = arith.constant 0 : index
    %get3A_85 = tpu.vector_load %arg11[%get3A_84] {strides = array<i32>} : memref<32xf32, #tpu.memory_space<vmem>>, vector<16xf32>,
    %gather3A = tpu.vector_load_idx %arg8[%add3A_81, %get3A_83] : memref<32x2048xf32, #tpu.memory_space<vmem>>[vector<16xi32>, vector<16xi32>], vector<16xf32>,
    %add3A_86 = arith.addf %gather3A, %get3A_85 : vector<16xf32>
    tpu.vector_store_idx %arg8[%add3A_81, %get3A_83], %add3A_86 : memref<32x2048xf32, #tpu.memory_space<vmem>>[vector<16xi32>, vector<16xi32>], vector<16xf32>,
    %dma_start3A_87 = arith.constant 0 : i32
    %dma_start3A_88 = arith.constant 0 : i32
    %dma_start3A_89 = arith.constant 0 : i32
    %dma_start3A_90 = tpu.memref_slice %arg8[%dma_start3A_88, %dma_start3A_89] : memref<32x2048xf32, #tpu.memory_space<vmem>> -> memref<16x2048xf32, #tpu.memory_space<vmem>>
    %dma_start3A_91 = arith.constant 0 : i32
    %dma_start3A_92 = tpu.memref_slice %arg7[%dma_start3A_87, %dma_start3A_91] : memref<2x16xi32, #tpu.memory_space<vmem>> -> memref<1x16xi32, #tpu.memory_space<vmem>>
    %dma_start3A_93 = tpu.memref_squeeze %dma_start3A_92 : memref<1x16xi32, #tpu.memory_space<vmem>> -> memref<16xi32, #tpu.memory_space<vmem>>
    %dma_start3A_94 = arith.constant 0 : i32
    %dma_start3A_95 = arith.constant 0 : i32
    %dma_start3A_96 = tpu.memref_slice %arg6[%dma_start3A_94, %dma_start3A_95] : memref<16384x2048xf32, #tpu.memory_space<hbm>> -> memref<16384x2048xf32, #tpu.memory_space<hbm>>
    tpu.enqueue_indirect_dma source(%dma_start3A_90 : memref<16x2048xf32, #tpu.memory_space<vmem>>) target(%dma_start3A_96 : memref<16384x2048xf32, #tpu.memory_space<hbm>>) offsets(%dma_start3A_93 : memref<16xi32, #tpu.memory_space<vmem>>) semaphore(%arg13 : memref<!tpu.dma_semaphore, #tpu.memory_space<semaphore_mem>>)
    %dma_wait3A_97 = arith.constant 1 : i32
    %dma_wait3A_98 = arith.constant 16 : i32
    %dma_wait3A_99 = arith.constant 0 : i32
    %dma_wait3A_100 = tpu.memref_slice %arg8[%dma_wait3A_98, %dma_wait3A_99] : memref<32x2048xf32, #tpu.memory_space<vmem>> -> memref<16x2048xf32, #tpu.memory_space<vmem>>
    %dma_wait3A_101 = arith.constant 0 : i32
    %dma_wait3A_102 = tpu.memref_slice %arg7[%dma_wait3A_97, %dma_wait3A_101] : memref<2x16xi32, #tpu.memory_space<vmem>> -> memref<1x16xi32, #tpu.memory_space<vmem>>
    %dma_wait3A_103 = tpu.memref_squeeze %dma_wait3A_102 : memref<1x16xi32, #tpu.memory_space<vmem>> -> memref<16xi32, #tpu.memory_space<vmem>>
    %dma_wait3A_104 = arith.constant 0 : i32
    %dma_wait3A_105 = arith.constant 0 : i32
    %dma_wait3A_106 = tpu.memref_slice %arg6[%dma_wait3A_104, %dma_wait3A_105] : memref<16384x2048xf32, #tpu.memory_space<hbm>> -> memref<16384x2048xf32, #tpu.memory_space<hbm>>
    tpu.wait_indirect_dma semaphore(%arg12 : memref<!tpu.dma_semaphore, #tpu.memory_space<semaphore_mem>>) src(%dma_wait3A_106 : memref<16384x2048xf32, #tpu.memory_space<hbm>>) dst(%dma_wait3A_100 : memref<16x2048xf32, #tpu.memory_space<vmem>>)
    %add3A_107 = arith.constant 16 : i32
    %add3A_108 = vector.broadcast %add3A_107 : i32 to vector<16xi32>
    %add3A_109 = arith.addi %iota3A, %add3A_108 : vector<16xi32>
    %get3A_110 = arith.constant 16 : index
    %get3A_111 = tpu.vector_load %arg10[%get3A_110] {strides = array<i32>} : memref<32xi32, #tpu.memory_space<vmem>>, vector<16xi32>,
    %get3A_112 = arith.constant 16 : index
    %get3A_113 = tpu.vector_load %arg11[%get3A_112] {strides = array<i32>} : memref<32xf32, #tpu.memory_space<vmem>>, vector<16xf32>,
    %gather3A_114 = tpu.vector_load_idx %arg8[%add3A_109, %get3A_111] : memref<32x2048xf32, #tpu.memory_space<vmem>>[vector<16xi32>, vector<16xi32>], vector<16xf32>,
    %add3A_115 = arith.addf %gather3A_114, %get3A_113 : vector<16xf32>
    tpu.vector_store_idx %arg8[%add3A_109, %get3A_111], %add3A_115 : memref<32x2048xf32, #tpu.memory_space<vmem>>[vector<16xi32>, vector<16xi32>], vector<16xf32>,
    %dma_start3A_116 = arith.constant 1 : i32
    %dma_start3A_117 = arith.constant 16 : i32
    %dma_start3A_118 = arith.constant 0 : i32
    %dma_start3A_119 = tpu.memref_slice %arg8[%dma_start3A_117, %dma_start3A_118] : memref<32x2048xf32, #tpu.memory_space<vmem>> -> memref<16x2048xf32, #tpu.memory_space<vmem>>
    %dma_start3A_120 = arith.constant 0 : i32
    %dma_start3A_121 = tpu.memref_slice %arg7[%dma_start3A_116, %dma_start3A_120] : memref<2x16xi32, #tpu.memory_space<vmem>> -> memref<1x16xi32, #tpu.memory_space<vmem>>
    %dma_start3A_122 = tpu.memref_squeeze %dma_start3A_121 : memref<1x16xi32, #tpu.memory_space<vmem>> -> memref<16xi32, #tpu.memory_space<vmem>>
    %dma_start3A_123 = arith.constant 0 : i32
    %dma_start3A_124 = arith.constant 0 : i32
    %dma_start3A_125 = tpu.memref_slice %arg6[%dma_start3A_123, %dma_start3A_124] : memref<16384x2048xf32, #tpu.memory_space<hbm>> -> memref<16384x2048xf32, #tpu.memory_space<hbm>>
    tpu.enqueue_indirect_dma source(%dma_start3A_119 : memref<16x2048xf32, #tpu.memory_space<vmem>>) target(%dma_start3A_125 : memref<16384x2048xf32, #tpu.memory_space<hbm>>) offsets(%dma_start3A_122 : memref<16xi32, #tpu.memory_space<vmem>>) semaphore(%arg13 : memref<!tpu.dma_semaphore, #tpu.memory_space<semaphore_mem>>)
    %dma_wait3A_126 = arith.constant 0 : i32
    %dma_wait3A_127 = arith.constant 0 : i32
    %dma_wait3A_128 = arith.constant 0 : i32
    %dma_wait3A_129 = tpu.memref_slice %arg8[%dma_wait3A_127, %dma_wait3A_128] : memref<32x2048xf32, #tpu.memory_space<vmem>> -> memref<16x2048xf32, #tpu.memory_space<vmem>>
    %dma_wait3A_130 = arith.constant 0 : i32
    %dma_wait3A_131 = tpu.memref_slice %arg7[%dma_wait3A_126, %dma_wait3A_130] : memref<2x16xi32, #tpu.memory_space<vmem>> -> memref<1x16xi32, #tpu.memory_space<vmem>>
    %dma_wait3A_132 = tpu.memref_squeeze %dma_wait3A_131 : memref<1x16xi32, #tpu.memory_space<vmem>> -> memref<16xi32, #tpu.memory_space<vmem>>
    %dma_wait3A_133 = arith.constant 0 : i32
    %dma_wait3A_134 = arith.constant 0 : i32
    %dma_wait3A_135 = tpu.memref_slice %arg6[%dma_wait3A_133, %dma_wait3A_134] : memref<16384x2048xf32, #tpu.memory_space<hbm>> -> memref<16384x2048xf32, #tpu.memory_space<hbm>>
    tpu.wait_indirect_dma semaphore(%arg13 : memref<!tpu.dma_semaphore, #tpu.memory_space<semaphore_mem>>) src(%dma_wait3A_129 : memref<16x2048xf32, #tpu.memory_space<vmem>>) dst(%dma_wait3A_135 : memref<16384x2048xf32, #tpu.memory_space<hbm>>)
    %dma_wait3A_136 = arith.constant 1 : i32
    %dma_wait3A_137 = arith.constant 16 : i32
    %dma_wait3A_138 = arith.constant 0 : i32
    %dma_wait3A_139 = tpu.memref_slice %arg8[%dma_wait3A_137, %dma_wait3A_138] : memref<32x2048xf32, #tpu.memory_space<vmem>> -> memref<16x2048xf32, #tpu.memory_space<vmem>>
    %dma_wait3A_140 = arith.constant 0 : i32
    %dma_wait3A_141 = tpu.memref_slice %arg7[%dma_wait3A_136, %dma_wait3A_140] : memref<2x16xi32, #tpu.memory_space<vmem>> -> memref<1x16xi32, #tpu.memory_space<vmem>>
    %dma_wait3A_142 = tpu.memref_squeeze %dma_wait3A_141 : memref<1x16xi32, #tpu.memory_space<vmem>> -> memref<16xi32, #tpu.memory_space<vmem>>
    %dma_wait3A_143 = arith.constant 0 : i32
    %dma_wait3A_144 = arith.constant 0 : i32
    %dma_wait3A_145 = tpu.memref_slice %arg6[%dma_wait3A_143, %dma_wait3A_144] : memref<16384x2048xf32, #tpu.memory_space<hbm>> -> memref<16384x2048xf32, #tpu.memory_space<hbm>>
    tpu.wait_indirect_dma semaphore(%arg13 : memref<!tpu.dma_semaphore, #tpu.memory_space<semaphore_mem>>) src(%dma_wait3A_139 : memref<16x2048xf32, #tpu.memory_space<vmem>>) dst(%dma_wait3A_145 : memref<16384x2048xf32, #tpu.memory_space<hbm>>)
    return
  }
}

</mosaic_0001>

<sc_bundles>
// kernel: kernel.3.cloned.1.call-start
scs
__scs_entry_jumppad:
0x0: {  	(pc) =	sbr.rel $0x88, $3  }
0x1: {  	(tag) =	ssettag $0x0;
	lr =	simm.s32 $0x1  }
0x2: {  	[smem:$0x3F9D] =	sst lr;
	_ =	strace $0xD0000000  }
0x3: {  	_ = 	snop  }
0x4: {  	_ = 	snop  }
0x5: {  	_ = 	snop  }
0x6: {  	_ = 	snop  }
0x7: {  	_ = 	snop  }
__scs_overlays_trampoline_lowered:
0x8: {  	[smem:$0x3FAC] =	sst s0  }
0x9: {  	[smem:$0x3FAD] =	sst s1  }
0xa: {  	[smem:$0x3FAE] =	sst s2  }
0xb: {  	[smem:$0x3FAF] =	sst s3  }
0xc: {  	[smem:$0x3FB0] =	sst s4  }
0xd: {  	[smem:$0x3FB1] =	sst s5  }
0xe: {  	[smem:$0x3FB2] =	sst s6  }
0xf: {  	[smem:$0x3FB3] =	sst s7  }
0x10: {  	[smem:$0x3FB4] =	sst s8  }
0x11: {  	[smem:$0x3FB5] =	sst s9;
	s0 =	simm.s32 @!p0 $0x0  }
0x12: {  	s1 =	sld [smem:$0x3F9B];
	s0 =	simm.s32 @p0 $0x1  }
0x13: {  	[smem:$0x3FB6] =	sst s0;
	s0 =	simm.s32 @!p1 $0x0  }
0x14: {  	s2 =	sld [smem:$0x3F9A];
	s0 =	simm.s32 @p1 $0x1  }
0x15: {  	[smem:$0x3FB7] =	sst s0;
	s0 =	simm.s32 @!p2 $0x0  }
0x16: {  	s3 =	sld [smem:$0x3FDB];
	s0 =	simm.s32 @p2 $0x1  }
0x17: {  	s4 =	simm.s32 $0x1BF5;
	[smem:$0x3FB9] =	sst s0  }
0x18: {  	s0 =	sld [smem:$0x3F9C];
	_ =	swait.ge [sflag:s4], $0x0  }
0x19: {  	s7 =	sld [smem:$0x3F9D]  }
0x1a: {  	s8 =	sadd.s32 $0xFFFFE003, lr  }
0x1b: {  	s9 =	sadd.s32 $0xFFFFFEF7, lr;
	s5 =	simm.s32 $0xFFFFFFFF;
	p2 =	slt.u32 s8, $0xFFFFF086  }
0x1c: {  	p1 =	slt.u32 s9, $0xF7A;
	s5 =	simm.s32 @!p2 $0x0  }
0x1d: {  	s5 =	simm.s32 @p1 $0x1;
	p0 =	seq.s32 s7, s2  }
0x1e: {  	s7 =	smul.u32 @!p0 $0xF7A, s2;
	p2 =	seq.s32 @!p0 s5, $0x0  }
0x1f: {  	s9 =	smul.u32 $0xF7A, s1;
	s8 =	simm.s32 @!p0 $0x1BF5;
	p2 =	por !p2, p0  }
0x20: {  	[sflag:s8] =	ssyncset.s32 @!p0 $0xFFFFF086;
	s6 =	sadd.s32 @!p0 s3, s7;
	s7 =	simm.s32 @!p0 $0x108  }
0x21: {  	s3 =	sadd.s32 s3, s9;
	s6 =	sadd.s32 @!p0 $0x88, s6;
	s7 =	simm.s32 @p2 $0x1082  }
0x22: {  	[simem:s7], [sflag:s8] =	dma.local @!p0 [hbm:s6], $0xF7A  }
0x23: {  	s9 =	sor.u32 $0xD0000000, s2;
	s6 =	simm.s32 $0x108;
	_ =	swait.ge @!p0 [sflag:s8], $0x0  }
0x24: {  	s3 =	sadd.s32 $0x88, s3;
	s6 =	simm.s32 @!p1 $0x1082;
	[sflag:s4] =	ssyncset.s32 $0xFFFFF086  }
0x25: {  	[simem:s6], [sflag:s4] =	dma.local [hbm:s3], $0xF7A  }
0x26: {  	[smem:$0x3F9D] =	sst s1;
	(tag) =	ssettag s2;
	_ =	strace s9  }
0x27: {  	s1 =	sld [smem:$0x3FAD]  }
0x28: {  	s2 =	sld [smem:$0x3FAE]  }
0x29: {  	s4 =	sld [smem:$0x3FB0]  }
0x2a: {  	p0 =	seq.s32 s5, $0x0;
	s5 =	sld [smem:$0x3FB1]  }
0x2b: {  	s6 =	sld [smem:$0x3FB2]  }
0x2c: {  	s7 =	sld [smem:$0x3FB3]  }
0x2d: {  	s3 =	simm.s32 $0x108;
	s8 =	sld [smem:$0x3FB4]  }
0x2e: {  	s3 =	simm.s32 @!p0 $0x1082;
	s9 =	sld [smem:$0x3FB5]  }
0x2f: {  	lr =	sadd.s32 s0, s3;
	s0 =	sld [smem:$0x3FAC]  }
0x30: {  	s3 =	sld [smem:$0x3FAF]  }
0x31: {  	[smem:$0x3FB8] =	sst s10  }
0x32: {  	s10 =	sld [smem:$0x3FB6];
	_ =	sdelay $0x3  }
0x33: {  	p0 =	seq.s32 s10, $0x1;
	s10 =	sld [smem:$0x3FB8];
	_ =	sdelay $0x3  }
0x34: {  	[smem:$0x3FB8] =	sst s10  }
0x35: {  	s10 =	sld [smem:$0x3FB7];
	_ =	sdelay $0x3  }
0x36: {  	p1 =	seq.s32 s10, $0x1;
	s10 =	sld [smem:$0x3FB8];
	_ =	sdelay $0x3  }
0x37: {  	[smem:$0x3FB8] =	sst s10  }
0x38: {  	s10 =	sld [smem:$0x3FB9]  }
0x39: {  	_ = 	snop;
	(pc) =	sbr.ind lr, $3  }
0x3a: {  	_ = 	snop  }
0x3b: {  	_ = 	snop  }
0x3c: {  	p2 =	seq.s32 s10, $0x1;
	s10 =	sld [smem:$0x3FB8]  }
0x3d: {  	_ =	shalt  }
0x3e: {  	_ =	shalt  }
0x3f: {  	_ =	shalt  }
0x40: {  	_ =	shalt  }
0x41: {  	_ =	shalt  }
0x42: {  	_ =	shalt  }
0x43: {  	_ =	shalt  }
0x44: {  	_ =	shalt  }
0x45: {  	_ =	shalt  }
0x46: {  	_ =	shalt  }
0x47: {  	_ =	shalt  }
0x48: {  	_ =	shalt  }
0x49: {  	_ =	shalt  }
0x4a: {  	_ =	shalt  }
0x4b: {  	_ =	shalt  }
0x4c: {  	_ =	shalt  }
0x4d: {  	_ =	shalt  }
0x4e: {  	_ =	shalt  }
0x4f: {  	_ =	shalt  }
0x50: {  	_ =	shalt  }
0x51: {  	_ =	shalt  }
0x52: {  	_ =	shalt  }
0x53: {  	_ =	shalt  }
0x54: {  	_ =	shalt  }
0x55: {  	_ =	shalt  }
0x56: {  	_ =	shalt  }
0x57: {  	_ =	shalt  }
0x58: {  	_ =	shalt  }
0x59: {  	_ =	shalt  }
0x5a: {  	_ =	shalt  }
0x5b: {  	_ =	shalt  }
0x5c: {  	_ =	shalt  }
0x5d: {  	_ =	shalt  }
0x5e: {  	_ =	shalt  }
0x5f: {  	_ =	shalt  }
0x60: {  	_ =	shalt  }
0x61: {  	_ =	shalt  }
0x62: {  	_ =	shalt  }
0x63: {  	_ =	shalt  }
0x64: {  	_ =	shalt  }
0x65: {  	_ =	shalt  }
0x66: {  	_ =	shalt  }
0x67: {  	_ =	shalt  }
0x68: {  	_ =	shalt  }
0x69: {  	_ =	shalt  }
0x6a: {  	_ =	shalt  }
0x6b: {  	_ =	shalt  }
0x6c: {  	_ =	shalt  }
0x6d: {  	_ =	shalt  }
0x6e: {  	_ =	shalt  }
0x6f: {  	_ =	shalt  }
0x70: {  	_ =	shalt  }
0x71: {  	_ =	shalt  }
0x72: {  	_ =	shalt  }
0x73: {  	_ =	shalt  }
0x74: {  	_ =	shalt  }
0x75: {  	_ =	shalt  }
0x76: {  	_ =	shalt  }
0x77: {  	_ =	shalt  }
0x78: {  	_ =	shalt  }
0x79: {  	_ =	shalt  }
0x7a: {  	_ =	shalt  }
0x7b: {  	_ =	shalt  }
0x7c: {  	_ =	shalt  }
0x7d: {  	_ =	shalt  }
0x7e: {  	_ =	shalt  }
0x7f: {  	_ =	shalt  }
0x80: {  	_ =	shalt  }
0x81: {  	_ =	shalt  }
0x82: {  	_ =	shalt  }
0x83: {  	_ =	shalt  }
0x84: {  	_ =	shalt  }
0x85: {  	_ =	shalt  }
0x86: {  	_ =	shalt  }
0x87: {  	_ =	shalt  }
.Lfunc_end0:
.L_simem_size_0:
called_computation_lowered:
.L_overlay_start_0:
0x88: {  	s2 =	sld [smem:$0x3FD9]  }
0x89: {  	s3 =	sld [smem:$0x3FFE];
	_ =	sdelay $0x1  }
0x8a: {  	s1 =	srdreg.scid  }
0x8b: {  	s0 =	sand.u32 $0x1, s1  }
0x8c: {  	s18 =	sshll.u32 s0, $0xA;
	s2 =	sadd.s32 s3, s2  }
0x8d: {  	s2 =	sadd.s32 s2, s18  }
0x8e: {  	[smem:$0x3FC4] =	sst s2  }
0x8f: {  	_ = 	snop  }
0x90: {  	s2 =	sld [smem:$0x3FC8]  }
0x91: {  	s19 =	sld [smem:$0x3FC7]  }
0x92: {  	s4 =	sld [smem:$0x3FC6]  }
0x93: {  	s5 =	sld [smem:$0x3FD0];
	(tm) =	ssettm $0x1  }
0x94: {  	s6 =	sld [smem:$0x3FFB];
	_ =	sdelay $0x3  }
0x95: {  	_ =	strace s6  }
0x96: {  	s6 =	sld [smem:$0x3FFC];
	_ =	sdelay $0x3  }
0x97: {  	_ =	strace s6  }
0x98: {  	s6 =	sld [smem:$0x3FFD];
	_ =	sdelay $0x3  }
0x99: {  	_ =	strace s6  }
0x9a: {  	_ =	strace $0x8FFFFFFF  }
0x9b: {  	s20 =	sld [smem:$0x3FDB];
	_ =	sdelay $0x1  }
0x9c: {  	s7 =	simm.s32 $_scs_section_size  }
0x9d: {  	s8 =	simm.s32 $_size__tile_overlayer_lowered;
	s9 =	simm.s32 $_tile_overlayer_lowered  }
0x9e: {  	s23 =	simm.s32 $0x1BFF;
	s22 =	sshll.u32 s9, $0x1;
	s6 =	sadd.s32 s7, s20  }
0x9f: {  	s10 =	simm.s32 $0x0;
	s21 =	sshll.u32 s8, $0x1;
	s8 =	sadd.s32 s22, s6  }
0xa0: {  	[timem:s10], [sflag:s23] =	dma.local [hbm:s8], s21  }
0xa1: {  	_ =	swait.ge [sflag:s23], s21  }
0xa2: {  	s7 =	ssub.s32 $0x0, s21;
	[sflag:s23] =	ssyncset.done $0x0  }
0xa3: {  	[sflag:s23] =	ssyncadd.s32 s7;
	_ =	sdelay $0x1  }
0xa4: {  	s24 =	simm.s32 $0x1B8B  }
0xa5: {  	_ =	swait.ge [sflag:s24], $0x1  }
0xa6: {  	[sflag:s24] =	ssyncset.done $0x0  }
0xa7: {  	s25 =	simm.s32 $0x1B8E;
	[sflag:s24] =	ssyncadd.s32 $0xFFFFFFFF  }
0xa8: {  	s26 =	simm.s32 $execute0_lowered;
	[smem:$0x3FD2] =	sst s25  }
0xa9: {  	s7 =	sshll.u32 s26, $0x1;
	_ =	strace $0x80000046;
	[dreg:$0x1] =	wrdreg $0xFFFFFFFF  }
0xaa: {  	s28 =	simm.s32 $_size_execute0_lowered;
	s6 =	sadd.s32 s6, s7;
	[dreg:$0x0] =	wrdreg $0x0  }
0xab: {  	s7 =	sshll.u32 s28, $0x1;
	[dreg:$0x2] =	wrdreg s6  }
0xac: {  	[dreg:$0x3] =	wrdreg s7  }
0xad: {  	[dreg:$0x4] =	wrdreg $0xC0  }
0xae: {  	_ =	task [dreg:s10], $0x5FFFF  }
0xaf: {  	[dreg:$0x1] =	wrdreg $0xFFFFFFFF  }
0xb0: {  	[dreg:$0x0] =	wrdreg $0x60  }
0xb1: {  	[dreg:$0x2] =	wrdreg s19  }
0xb2: {  	[dreg:$0x3] =	wrdreg s4  }
0xb3: {  	[dreg:$0x4] =	wrdreg s2  }
0xb4: {  	[dreg:$0x5] =	wrdreg s5  }
0xb5: {  	[dreg:$0x6] =	wrdreg $0x9  }
0xb6: {  	_ =	task.clear_ibuf [dreg:s10], $0x7FFFF;
	_ =	strace $0x90000046  }
0xb7: {  	s29 =	simm.s32 $0x9;
	_ =	strace $0x80000048  }
0xb8: {  	_ =	swait.ge [sflag:s29], $0x1  }
0xb9: {  	[sflag:s29] =	ssyncadd.s32 $0xFFFFFFFF  }
0xba: {  	_ =	strace $0x90000048  }
0xbb: {  	_ =	sfence  }
0xbc: {  	s30 =	sld [smem:$0x0];
	_ =	sdelay $0x2  }
0xbd: {  	s31 =	sshll.u32 s1, $0xD;
	s1 =	sshrl.u32 s1, $0x2  }
0xbe: {  	s3 =	sand.u32 $0x4000, s31;
	s1 =	sadd.s32 s1, s30  }
0xbf: {  	s0 =	sor.u32 s3, s0;
	s1 =	sshll.u32 s1, $0x11  }
0xc0: {  	s0 =	sor.u32 s1, s0  }
0xc1: {  	s0 =	sadd.s32 $0x8F2B, s0  }
0xc2: {  	[sflag:s0] =	ssyncadd.remote.s32 $0x1  }
0xc3: {  	_ =	sfence.sel $0xFFFF  }
0xc4: {  	[dreg:$0x0] =	wrdreg $0xFFFFFFFF;
	(pc) =	sbr.abs _section_cstart, $3  }
0xc5: {  	[dreg:$0x1] =	wrdreg $0xFFFFFFFF  }
0xc6: {  	_ =	task.clear_ibuf [dreg:s10], $0x2FFFF;
	_ =	strace $0x9FFFFFFF  }
0xc7: {  	(tm) =	ssettm $0x7FFFFFFF  }
tec
execute0_lowered:
.L_overlay_start_1:
0x0: {  	(tag) =	ssettag $0x1  }
0x1: {  	s0 =	rddreg [dreg:$0x0]  }
0x2: {  	s1 =	rddreg [dreg:$0x1]  }
0x3: {  	s9 =	rddreg [dreg:$0x2]  }
0x4: {  	s2 =	rddreg [dreg:$0x3];
	s7 =	stileid.u32;
	s3 =	simm.s32 $0x0;
	v3 =	vlaneseq.u32;
	vm0 =	vmmov $0xffff;
	v4 =	vimm.s32 $0x4380  }
0x5: {  	s4 =	srdreg.scid;
	vm1 =	vcmask $0x300;
	v5 =	vimm.s32 $0xC380;
	s26 =	simm.s32 $0x10100;
	vm2 =	vcmask $0x704;
	s12 =	simm.s32 $0x3  }
0x6: {  	s29 =	simm.s32 $0x10180;
	s30 =	simm.s32 $0x10200;
	s28 =	simm.s32 $0x2;
	v2 =	vshrl.u32 v3, $0x3;
	v1 =	vand.u32 $0x7, v3;
	v4 =	vsel vm1, $0x0, v4  }
0x7: {  	s31 =	simm.s32 $0x900;
	s13 =	simm.s32 $0x1100;
	s5 =	sshll.u32 s7, $0x1;
	v5 =	vsel vm1, $0x8000, v5;
	vm1 =	vcmask $0xB08;
	v3 =	vor.u32 $0x8, v3  }
0x8: {  	s14 =	simm.s32 $0x2100;
	s4 =	sand.u32 $0x1, s4;
	s5 =	sand.u32 $0x2, s5;
	v4 =	vsel vm2, $0x80, v4;
	v5 =	vsel vm2, $0x8080, v5;
	vm2 =	vcmask $0xF0C  }
0x9: {  	s23 =	sshll.u32 s7, $0xA;
	s6 =	ssub.s32 $0x2, s4;
	s4 =	sor.u32 s4, s5;
	v4 =	vsel vm1, $0x100, v4;
	v5 =	vsel vm1, $0x8100, v5;
	vm1 =	vcmask $0x1310  }
0xa: {  	s15 =	simm.s32 $0x2900;
	s10 =	sshll.u32 s4, $0x2;
	s4 =	sand.u32 $0x3800, s23;
	v4 =	vsel vm2, $0x180, v4;
	v5 =	vsel vm2, $0x8180, v5;
	vm2 =	vcmask $0x1714  }
0xb: {  	s16 =	simm.s32 $0x3100;
	s17 =	simm.s32 $0x3900;
	s18 =	simm.s32 $0x4100;
	v0 =	vmov s4;
	v4 =	vsel vm1, $0x200, v4;
	v5 =	vsel vm1, $0x8200, v5  }
0xc: {  	s19 =	simm.s32 $0x4900;
	s20 =	simm.s32 $0x5100;
	[smem:$0x7FF] =	sst s3;
	vm1 =	vcmask $0x1B18;
	v4 =	vsel vm2, $0x280, v4;
	v5 =	vsel vm2, $0x8280, v5  }
0xd: {  	s21 =	simm.s32 $0x5900;
	_ =	strace $0x80000047;
	[dreg:$0x8] =	wrdreg s26;
	vm2 =	vcmask $0x1F1C;
	v4 =	vsel vm1, $0x300, v4;
	v5 =	vsel vm1, $0x8300, v5  }
0xe: {  	s7 =	sadd.s32 $0x400, s2;
	s8 =	sadd.s32 $0x500, s2;
	[dreg:$0x9] =	wrdreg s29;
	vm1 =	vcmask $0x2320;
	v4 =	vsel vm2, $0x380, v4;
	v5 =	vsel vm2, $0x8380, v5  }
0xf: {  	[dreg:$0xa] =	wrdreg s30;
	s26 =	simm.s32 $0x1;
	s22 =	sshrl.u32 s6, $0x1;
	vm2 =	vcmask $0x2724;
	v4 =	vsel vm1, $0x4000, v4;
	v5 =	vsel vm1, $0xC000, v5  }
0x10: {  	s5 =	sadd.s32 $0x200, s2;
	s11 =	ssub.s32 s6, s22;
	s6 =	sadd.s32 $0x300, s2;
	vm1 =	vcmask $0x2B28;
	v4 =	vsel vm2, $0x4080, v4;
	v5 =	vsel vm2, $0xC080, v5  }
0x11: {  	s22 =	simm.s32 $0x6100;
	s23 =	simm.s32 $0x6900;
	s0 =	sadd.s32 s0, s10;
	vm2 =	vcmask $0x2F2C;
	v4 =	vsel vm1, $0x4100, v4;
	v5 =	vsel vm1, $0xC100, v5  }
0x12: {  	s4 =	sadd.s32 $0x100, s2;
	s24 =	sadd.s32 s1, s10;
	s25 =	sadd.s32 s9, s10;
	vm1 =	vcmask $0x3330;
	v4 =	vsel vm2, $0x4180, v4;
	v5 =	vsel vm2, $0xC180, v5  }
0x13: {  	s9 =	sadd.s32 $0x600, s2;
	s10 =	sadd.s32 $0x700, s2;
	[dreg:$0x5] =	wrdreg s0;
	vm2 =	vcmask $0x3734;
	v4 =	vsel vm1, $0x4200, v4;
	v5 =	vsel vm1, $0xC200, v5  }
0x14: {  	s11 =	smax.u32 s11, $0x1;
	s2 =	simm.s32 $0x100;
	[dreg:$0x6] =	wrdreg s24;
	vm1 =	vcmask $0x3B38;
	v4 =	vsel vm2, $0x4280, v4;
	v5 =	vsel vm2, $0xC280, v5  }
0x15: {  	v2 =	vmul.u32 $0x8, v2;
	[dreg:$0x7] =	wrdreg s25;
	s24 =	simm.s32 $0x7100;
	s25 =	simm.s32 $0x7900;
	v4 =	vsel vm1, $0x4300, v4;
	v5 =	vsel vm1, $0xC300, v5  }
.LBB2_1:
0x16: {  	s29 =	rddreg [dreg:$0x5]  }
0x17: {  	s30 =	rddreg [dreg:$0x8]  }
0x18: {  	[tilespmem:s30], [sflag:$0x3] =	stream.linear.gather [hbm4b:s29+s3], $0x20, $0x38;
	[tilespmem:$0x10280] =	vst v63  }
0x19: {  	_ =	swait.ge [sflag:s12], $0x20  }
0x1a: {  	[sflag:s12] =	ssyncset.done $0x0  }
0x1b: {  	[sflag:s12] =	ssyncadd.s32 $0xFFFFFFE0  }
0x1c: {  	v6 =	vld [tilespmem:$0x10100];
	_ =	sdelay $0x4  }
0x1d: {  	v7 =	vadd.s32 v0, v6  }
0x1e: {  	v8 =	vshll.u32 v7, $0x4  }
0x1f: {  	v6 =	vand.u32 $0x7, v6;
	v8 =	vand.u32 $0xFFFFFF80, v8  }
0x20: {  	v6 =	vor.u32 v6, v8  }
0x21: {  	v61 =	vld [tilespmem:$0x10110];
	v9 =	vperm.xlane v6, v1;
	_ =	sdelay $0x1  }
0x22: {  	v9 =	vadd.s32 v2, v9;
	_ =	sdelay $0x2  }
0x23: {  	[tilespmem:$0x0] =	vst v7;
	v7 =	vadd.s32 v0, v61  }
0x24: {  	s0 =	rddreg [dreg:$0x3];
	[tilespmem:$0x80] =	vst v7  }
0x25: {  	[tilespmem:s2], [sflag:$0x1] =	stream.indirect_vreg.gather [hbm4b:s0+s3], $0x80, v9, vm0, $0xb8;
	[tilespmem:$0x10280] =	vst v63  }
0x26: {  	_ = 	snop  }
0x27: {  	[tilespmem:s31], [sflag:$0x1] =	stream.indirect_vreg.gather [hbm4b:s4+s3], $0x80, v9, vm0, $0xb8;
	[tilespmem:$0x10280] =	vst v63  }
0x28: {  	_ = 	snop  }
0x29: {  	[tilespmem:s13], [sflag:$0x1] =	stream.indirect_vreg.gather [hbm4b:s5+s3], $0x80, v9, vm0, $0xb8;
	[tilespmem:$0x10280] =	vst v63  }
0x2a: {  	s1 =	simm.s32 $0x1900  }
0x2b: {  	[tilespmem:s1], [sflag:$0x1] =	stream.indirect_vreg.gather [hbm4b:s6+s3], $0x80, v9, vm0, $0xb8;
	[tilespmem:$0x10280] =	vst v63  }
0x2c: {  	_ = 	snop  }
0x2d: {  	[tilespmem:s14], [sflag:$0x1] =	stream.indirect_vreg.gather [hbm4b:s7+s3], $0x80, v9, vm0, $0xb8;
	[tilespmem:$0x10280] =	vst v63  }
0x2e: {  	v6 =	vperm.xlane v6, v3  }
0x2f: {  	[tilespmem:s15], [sflag:$0x1] =	stream.indirect_vreg.gather [hbm4b:s8+s3], $0x80, v9, vm0, $0xb8;
	[tilespmem:$0x10280] =	vst v63  }
0x30: {  	v6 =	vadd.s32 v2, v6  }
0x31: {  	[tilespmem:s16], [sflag:$0x1] =	stream.indirect_vreg.gather [hbm4b:s9+s3], $0x80, v9, vm0, $0xb8;
	[tilespmem:$0x10280] =	vst v63  }
0x32: {  	_ = 	snop  }
0x33: {  	[tilespmem:s17], [sflag:$0x1] =	stream.indirect_vreg.gather [hbm4b:s10+s3], $0x80, v9, vm0, $0xb8;
	[tilespmem:$0x10280] =	vst v63  }
0x34: {  	_ = 	snop  }
0x35: {  	[tilespmem:s18], [sflag:$0x1] =	stream.indirect_vreg.gather [hbm4b:s0+s3], $0x80, v6, vm0, $0xb8;
	[tilespmem:$0x10280] =	vst v63  }
0x36: {  	_ = 	snop  }
0x37: {  	[tilespmem:s19], [sflag:$0x1] =	stream.indirect_vreg.gather [hbm4b:s4+s3], $0x80, v6, vm0, $0xb8;
	[tilespmem:$0x10280] =	vst v63  }
0x38: {  	_ = 	snop  }
0x39: {  	[tilespmem:s20], [sflag:$0x1] =	stream.indirect_vreg.gather [hbm4b:s5+s3], $0x80, v6, vm0, $0xb8;
	[tilespmem:$0x10280] =	vst v63  }
0x3a: {  	_ = 	snop  }
0x3b: {  	[tilespmem:s21], [sflag:$0x1] =	stream.indirect_vreg.gather [hbm4b:s6+s3], $0x80, v6, vm0, $0xb8;
	[tilespmem:$0x10280] =	vst v63  }
0x3c: {  	_ = 	snop  }
0x3d: {  	[tilespmem:s22], [sflag:$0x1] =	stream.indirect_vreg.gather [hbm4b:s7+s3], $0x80, v6, vm0, $0xb8;
	[tilespmem:$0x10280] =	vst v63  }
0x3e: {  	_ = 	snop  }
0x3f: {  	[tilespmem:s23], [sflag:$0x1] =	stream.indirect_vreg.gather [hbm4b:s8+s3], $0x80, v6, vm0, $0xb8;
	[tilespmem:$0x10280] =	vst v63  }
0x40: {  	_ = 	snop  }
0x41: {  	[tilespmem:s24], [sflag:$0x1] =	stream.indirect_vreg.gather [hbm4b:s9+s3], $0x80, v6, vm0, $0xb8;
	[tilespmem:$0x10280] =	vst v63  }
0x42: {  	_ = 	snop  }
0x43: {  	[tilespmem:s25], [sflag:$0x1] =	stream.indirect_vreg.gather [hbm4b:s10+s3], $0x80, v6, vm0, $0xb8;
	[tilespmem:$0x10280] =	vst v63  }
0x44: {  	v6 =	vld [tilespmem:$0x80];
	_ =	sdelay $0x4  }
0x45: {  	v7 =	vshll.u32 v6, $0x4  }
0x46: {  	v6 =	vand.u32 $0x7, v6;
	v7 =	vand.u32 $0xFFFFFF80, v7  }
0x47: {  	v6 =	vor.u32 v6, v7  }
0x48: {  	v7 =	vperm.xlane v6, v1;
	_ =	sdelay $0x1  }
0x49: {  	v7 =	vadd.s32 v2, v7;
	_ =	sdelay $0x3  }
0x4a: {  	s30 =	simm.s32 $0x8100  }
0x4b: {  	[tilespmem:s30], [sflag:$0x1] =	stream.indirect_vreg.gather [hbm4b:s0+s3], $0x80, v7, vm0, $0xb8;
	[tilespmem:$0x10280] =	vst v63  }
0x4c: {  	s1 =	simm.s32 $0x8900  }
0x4d: {  	[tilespmem:s1], [sflag:$0x1] =	stream.indirect_vreg.gather [hbm4b:s4+s3], $0x80, v7, vm0, $0xb8;
	[tilespmem:$0x10280] =	vst v63  }
0x4e: {  	s30 =	simm.s32 $0x9100  }
0x4f: {  	[tilespmem:s30], [sflag:$0x1] =	stream.indirect_vreg.gather [hbm4b:s5+s3], $0x80, v7, vm0, $0xb8;
	[tilespmem:$0x10280] =	vst v63  }
0x50: {  	s1 =	simm.s32 $0x9900  }
0x51: {  	[tilespmem:s1], [sflag:$0x1] =	stream.indirect_vreg.gather [hbm4b:s6+s3], $0x80, v7, vm0, $0xb8;
	[tilespmem:$0x10280] =	vst v63  }
0x52: {  	s30 =	simm.s32 $0xA100  }
0x53: {  	[tilespmem:s30], [sflag:$0x1] =	stream.indirect_vreg.gather [hbm4b:s7+s3], $0x80, v7, vm0, $0xb8;
	[tilespmem:$0x10280] =	vst v63  }
0x54: {  	v6 =	vperm.xlane v6, v3;
	s1 =	simm.s32 $0xA900  }
0x55: {  	[tilespmem:s1], [sflag:$0x1] =	stream.indirect_vreg.gather [hbm4b:s8+s3], $0x80, v7, vm0, $0xb8;
	[tilespmem:$0x10280] =	vst v63  }
0x56: {  	v6 =	vadd.s32 v2, v6;
	s30 =	simm.s32 $0xB100  }
0x57: {  	[tilespmem:s30], [sflag:$0x1] =	stream.indirect_vreg.gather [hbm4b:s9+s3], $0x80, v7, vm0, $0xb8;
	[tilespmem:$0x10280] =	vst v63  }
0x58: {  	s1 =	simm.s32 $0xB900  }
0x59: {  	[tilespmem:s1], [sflag:$0x1] =	stream.indirect_vreg.gather [hbm4b:s10+s3], $0x80, v7, vm0, $0xb8;
	[tilespmem:$0x10280] =	vst v63  }
0x5a: {  	s30 =	simm.s32 $0xC100  }
0x5b: {  	[tilespmem:s30], [sflag:$0x1] =	stream.indirect_vreg.gather [hbm4b:s0+s3], $0x80, v6, vm0, $0xb8;
	[tilespmem:$0x10280] =	vst v63  }
0x5c: {  	s1 =	simm.s32 $0xC900  }
0x5d: {  	[tilespmem:s1], [sflag:$0x1] =	stream.indirect_vreg.gather [hbm4b:s4+s3], $0x80, v6, vm0, $0xb8;
	[tilespmem:$0x10280] =	vst v63  }
0x5e: {  	s30 =	simm.s32 $0xD100  }
0x5f: {  	[tilespmem:s30], [sflag:$0x1] =	stream.indirect_vreg.gather [hbm4b:s5+s3], $0x80, v6, vm0, $0xb8;
	[tilespmem:$0x10280] =	vst v63  }
0x60: {  	s1 =	simm.s32 $0xD900  }
0x61: {  	[tilespmem:s1], [sflag:$0x1] =	stream.indirect_vreg.gather [hbm4b:s6+s3], $0x80, v6, vm0, $0xb8;
	[tilespmem:$0x10280] =	vst v63  }
0x62: {  	s30 =	simm.s32 $0xE100  }
0x63: {  	[tilespmem:s30], [sflag:$0x1] =	stream.indirect_vreg.gather [hbm4b:s7+s3], $0x80, v6, vm0, $0xb8;
	[tilespmem:$0x10280] =	vst v63  }
0x64: {  	s1 =	simm.s32 $0xE900  }
0x65: {  	[tilespmem:s1], [sflag:$0x1] =	stream.indirect_vreg.gather [hbm4b:s8+s3], $0x80, v6, vm0, $0xb8;
	[tilespmem:$0x10280] =	vst v63  }
0x66: {  	s30 =	simm.s32 $0xF100  }
0x67: {  	[tilespmem:s30], [sflag:$0x1] =	stream.indirect_vreg.gather [hbm4b:s9+s3], $0x80, v6, vm0, $0xb8;
	[tilespmem:$0x10280] =	vst v63  }
0x68: {  	s29 =	rddreg [dreg:$0x6];
	s1 =	simm.s32 $0xF900  }
0x69: {  	[tilespmem:s1], [sflag:$0x1] =	stream.indirect_vreg.gather [hbm4b:s10+s3], $0x80, v6, vm0, $0xb8;
	[tilespmem:$0x10280] =	vst v63  }
0x6a: {  	s30 =	rddreg [dreg:$0x9]  }
0x6b: {  	[tilespmem:s30], [sflag:$0x3] =	stream.linear.gather [hbm4b:s29+s3], $0x20, $0x38;
	[tilespmem:$0x10280] =	vst v63  }
0x6c: {  	_ =	swait.ge [sflag:s12], $0x20  }
0x6d: {  	s29 =	rddreg [dreg:$0x7];
	[sflag:s12] =	ssyncset.done $0x0  }
0x6e: {  	s1 =	rddreg [dreg:$0xa];
	[sflag:s12] =	ssyncadd.s32 $0xFFFFFFE0  }
0x6f: {  	[tilespmem:s1], [sflag:$0x3] =	stream.linear.gather [hbm4b:s29+s3], $0x20, $0x38;
	[tilespmem:$0x10280] =	vst v63  }
0x70: {  	_ =	swait.ge [sflag:s12], $0x20  }
0x71: {  	[sflag:s12] =	ssyncset.done $0x0  }
0x72: {  	[sflag:s12] =	ssyncadd.s32 $0xFFFFFFE0  }
0x73: {  	_ =	swait.ge [sflag:s26], $0x8000  }
0x74: {  	[sflag:s26] =	ssyncset.done $0x0  }
0x75: {  	[sflag:s26] =	ssyncadd.s32 $0xFFFF8000  }
0x76: {  	v6 =	vld [tilespmem:$0x10180];
	_ =	sdelay $0x4  }
0x77: {  	v7 =	vshll.u32 v6, $0x3  }
0x78: {  	v6 =	vand.u32 $0x7F, v6;
	v7 =	vand.u32 $0xFFFFFC00, v7  }
0x79: {  	v6 =	vor.u32 v6, v7  }
0x7a: {  	v6 =	vadd.s32 v4, v6;
	_ =	sdelay $0x3  }
0x7b: {  	v7 =	vld [tilespmem:$0x10200]  }
0x7c: {  	v62 =	vld.idx.msk [tilespmem:v6+s2+$0x0], $0xffff;
	_ =	sdelay $0x4  }
0x7d: {  	v7 =	vadd.f32 v62, v7;
	_ =	sdelay $0x1  }
0x7e: {  	[tilespmem:v6+s2+$0x0] =	vst.idx.msk $0xffff, v7  }
0x7f: {  	v6 =	vld [tilespmem:$0x0];
	_ =	sdelay $0x4  }
0x80: {  	v7 =	vshll.u32 v6, $0x4  }
0x81: {  	v6 =	vand.u32 $0x7, v6;
	v7 =	vand.u32 $0xFFFFFF80, v7  }
0x82: {  	v6 =	vor.u32 v6, v7  }
0x83: {  	v7 =	vperm.xlane v6, v1;
	_ =	sdelay $0x1  }
0x84: {  	v7 =	vadd.s32 v2, v7;
	_ =	sdelay $0x4  }
0x85: {  	[hbm4b:s0+s3] =	stream.indirect_vreg.scatter [tilespmem:s2], [sflag:$0x2], $0x80, v7, vm0, $0xb8;
	[tilespmem:$0x10280] =	vst v63  }
0x86: {  	_ = 	snop  }
0x87: {  	[hbm4b:s4+s3] =	stream.indirect_vreg.scatter [tilespmem:s31], [sflag:$0x2], $0x80, v7, vm0, $0xb8;
	[tilespmem:$0x10280] =	vst v63  }
0x88: {  	_ = 	snop  }
0x89: {  	[hbm4b:s5+s3] =	stream.indirect_vreg.scatter [tilespmem:s13], [sflag:$0x2], $0x80, v7, vm0, $0xb8;
	[tilespmem:$0x10280] =	vst v63  }
0x8a: {  	s30 =	simm.s32 $0x1900  }
0x8b: {  	[hbm4b:s6+s3] =	stream.indirect_vreg.scatter [tilespmem:s30], [sflag:$0x2], $0x80, v7, vm0, $0xb8;
	[tilespmem:$0x10280] =	vst v63  }
0x8c: {  	_ = 	snop  }
0x8d: {  	[hbm4b:s7+s3] =	stream.indirect_vreg.scatter [tilespmem:s14], [sflag:$0x2], $0x80, v7, vm0, $0xb8;
	[tilespmem:$0x10280] =	vst v63  }
0x8e: {  	v6 =	vperm.xlane v6, v3  }
0x8f: {  	[hbm4b:s8+s3] =	stream.indirect_vreg.scatter [tilespmem:s15], [sflag:$0x2], $0x80, v7, vm0, $0xb8;
	[tilespmem:$0x10280] =	vst v63  }
0x90: {  	v6 =	vadd.s32 v2, v6  }
0x91: {  	[hbm4b:s9+s3] =	stream.indirect_vreg.scatter [tilespmem:s16], [sflag:$0x2], $0x80, v7, vm0, $0xb8;
	[tilespmem:$0x10280] =	vst v63  }
0x92: {  	_ = 	snop  }
0x93: {  	[hbm4b:s10+s3] =	stream.indirect_vreg.scatter [tilespmem:s17], [sflag:$0x2], $0x80, v7, vm0, $0xb8;
	[tilespmem:$0x10280] =	vst v63  }
0x94: {  	_ = 	snop  }
0x95: {  	[hbm4b:s0+s3] =	stream.indirect_vreg.scatter [tilespmem:s18], [sflag:$0x2], $0x80, v6, vm0, $0xb8;
	[tilespmem:$0x10280] =	vst v63  }
0x96: {  	_ = 	snop  }
0x97: {  	[hbm4b:s4+s3] =	stream.indirect_vreg.scatter [tilespmem:s19], [sflag:$0x2], $0x80, v6, vm0, $0xb8;
	[tilespmem:$0x10280] =	vst v63  }
0x98: {  	_ = 	snop  }
0x99: {  	[hbm4b:s5+s3] =	stream.indirect_vreg.scatter [tilespmem:s20], [sflag:$0x2], $0x80, v6, vm0, $0xb8;
	[tilespmem:$0x10280] =	vst v63  }
0x9a: {  	_ = 	snop  }
0x9b: {  	[hbm4b:s6+s3] =	stream.indirect_vreg.scatter [tilespmem:s21], [sflag:$0x2], $0x80, v6, vm0, $0xb8;
	[tilespmem:$0x10280] =	vst v63  }
0x9c: {  	_ = 	snop  }
0x9d: {  	[hbm4b:s7+s3] =	stream.indirect_vreg.scatter [tilespmem:s22], [sflag:$0x2], $0x80, v6, vm0, $0xb8;
	[tilespmem:$0x10280] =	vst v63  }
0x9e: {  	_ = 	snop  }
0x9f: {  	[hbm4b:s8+s3] =	stream.indirect_vreg.scatter [tilespmem:s23], [sflag:$0x2], $0x80, v6, vm0, $0xb8;
	[tilespmem:$0x10280] =	vst v63  }
0xa0: {  	_ = 	snop  }
0xa1: {  	[hbm4b:s9+s3] =	stream.indirect_vreg.scatter [tilespmem:s24], [sflag:$0x2], $0x80, v6, vm0, $0xb8;
	[tilespmem:$0x10280] =	vst v63  }
0xa2: {  	_ = 	snop  }
0xa3: {  	[hbm4b:s10+s3] =	stream.indirect_vreg.scatter [tilespmem:s25], [sflag:$0x2], $0x80, v6, vm0, $0xb8;
	[tilespmem:$0x10280] =	vst v63  }
0xa4: {  	_ =	swait.ge [sflag:s26], $0x8000  }
0xa5: {  	[sflag:s26] =	ssyncset.done $0x0  }
0xa6: {  	[sflag:s26] =	ssyncadd.s32 $0xFFFF8000  }
0xa7: {  	v6 =	vld [tilespmem:$0x10190];
	_ =	sdelay $0x4  }
0xa8: {  	v7 =	vshll.u32 v6, $0x3  }
0xa9: {  	v6 =	vand.u32 $0x7F, v6;
	v7 =	vand.u32 $0xFFFFFC00, v7  }
0xaa: {  	v6 =	vor.u32 v6, v7  }
0xab: {  	v6 =	vadd.s32 v5, v6;
	_ =	sdelay $0x3  }
0xac: {  	v7 =	vld [tilespmem:$0x10210]  }
0xad: {  	v63 =	vld.idx.msk [tilespmem:v6+s2+$0x0], $0xffff;
	_ =	sdelay $0x4  }
0xae: {  	v7 =	vadd.f32 v63, v7;
	_ =	sdelay $0x1  }
0xaf: {  	[tilespmem:v6+s2+$0x0] =	vst.idx.msk $0xffff, v7  }
0xb0: {  	v6 =	vld [tilespmem:$0x80];
	_ =	sdelay $0x4  }
0xb1: {  	v7 =	vshll.u32 v6, $0x4  }
0xb2: {  	v6 =	vand.u32 $0x7, v6;
	v7 =	vand.u32 $0xFFFFFF80, v7  }
0xb3: {  	v6 =	vor.u32 v6, v7  }
0xb4: {  	v7 =	vperm.xlane v6, v1;
	_ =	sdelay $0x1  }
0xb5: {  	v7 =	vadd.s32 v2, v7;
	_ =	sdelay $0x3  }
0xb6: {  	s29 =	simm.s32 $0x8100  }
0xb7: {  	[hbm4b:s0+s3] =	stream.indirect_vreg.scatter [tilespmem:s29], [sflag:$0x2], $0x80, v7, vm0, $0xb8;
	[tilespmem:$0x10280] =	vst v63  }
0xb8: {  	s30 =	simm.s32 $0x8900  }
0xb9: {  	[hbm4b:s4+s3] =	stream.indirect_vreg.scatter [tilespmem:s30], [sflag:$0x2], $0x80, v7, vm0, $0xb8;
	[tilespmem:$0x10280] =	vst v63  }
0xba: {  	s29 =	simm.s32 $0x9100  }
0xbb: {  	[hbm4b:s5+s3] =	stream.indirect_vreg.scatter [tilespmem:s29], [sflag:$0x2], $0x80, v7, vm0, $0xb8;
	[tilespmem:$0x10280] =	vst v63  }
0xbc: {  	s30 =	simm.s32 $0x9900  }
0xbd: {  	[hbm4b:s6+s3] =	stream.indirect_vreg.scatter [tilespmem:s30], [sflag:$0x2], $0x80, v7, vm0, $0xb8;
	[tilespmem:$0x10280] =	vst v63  }
0xbe: {  	s29 =	simm.s32 $0xA100  }
0xbf: {  	[hbm4b:s7+s3] =	stream.indirect_vreg.scatter [tilespmem:s29], [sflag:$0x2], $0x80, v7, vm0, $0xb8;
	[tilespmem:$0x10280] =	vst v63  }
0xc0: {  	v6 =	vperm.xlane v6, v3;
	s30 =	simm.s32 $0xA900  }
0xc1: {  	[hbm4b:s8+s3] =	stream.indirect_vreg.scatter [tilespmem:s30], [sflag:$0x2], $0x80, v7, vm0, $0xb8;
	[tilespmem:$0x10280] =	vst v63  }
0xc2: {  	v6 =	vadd.s32 v2, v6;
	s29 =	simm.s32 $0xB100  }
0xc3: {  	[hbm4b:s9+s3] =	stream.indirect_vreg.scatter [tilespmem:s29], [sflag:$0x2], $0x80, v7, vm0, $0xb8;
	[tilespmem:$0x10280] =	vst v63  }
0xc4: {  	s30 =	simm.s32 $0xB900  }
0xc5: {  	[hbm4b:s10+s3] =	stream.indirect_vreg.scatter [tilespmem:s30], [sflag:$0x2], $0x80, v7, vm0, $0xb8;
	[tilespmem:$0x10280] =	vst v63  }
0xc6: {  	s29 =	simm.s32 $0xC100  }
0xc7: {  	[hbm4b:s0+s3] =	stream.indirect_vreg.scatter [tilespmem:s29], [sflag:$0x2], $0x80, v6, vm0, $0xb8;
	[tilespmem:$0x10280] =	vst v63  }
0xc8: {  	s30 =	simm.s32 $0xC900  }
0xc9: {  	[hbm4b:s4+s3] =	stream.indirect_vreg.scatter [tilespmem:s30], [sflag:$0x2], $0x80, v6, vm0, $0xb8;
	[tilespmem:$0x10280] =	vst v63  }
0xca: {  	s1 =	simm.s32 $0xD100  }
0xcb: {  	[hbm4b:s5+s3] =	stream.indirect_vreg.scatter [tilespmem:s1], [sflag:$0x2], $0x80, v6, vm0, $0xb8;
	[tilespmem:$0x10280] =	vst v63  }
0xcc: {  	s29 =	simm.s32 $0xD900  }
0xcd: {  	[hbm4b:s6+s3] =	stream.indirect_vreg.scatter [tilespmem:s29], [sflag:$0x2], $0x80, v6, vm0, $0xb8;
	[tilespmem:$0x10280] =	vst v63  }
0xce: {  	s30 =	simm.s32 $0xE100  }
0xcf: {  	[hbm4b:s7+s3] =	stream.indirect_vreg.scatter [tilespmem:s30], [sflag:$0x2], $0x80, v6, vm0, $0xb8;
	[tilespmem:$0x10280] =	vst v63  }
0xd0: {  	s1 =	simm.s32 $0xE900  }
0xd1: {  	[hbm4b:s8+s3] =	stream.indirect_vreg.scatter [tilespmem:s1], [sflag:$0x2], $0x80, v6, vm0, $0xb8;
	[tilespmem:$0x10280] =	vst v63  }
0xd2: {  	s29 =	simm.s32 $0xF100  }
0xd3: {  	[hbm4b:s9+s3] =	stream.indirect_vreg.scatter [tilespmem:s29], [sflag:$0x2], $0x80, v6, vm0, $0xb8;
	[tilespmem:$0x10280] =	vst v63  }
0xd4: {  	s30 =	simm.s32 $0xF900  }
0xd5: {  	[hbm4b:s10+s3] =	stream.indirect_vreg.scatter [tilespmem:s30], [sflag:$0x2], $0x80, v6, vm0, $0xb8;
	[tilespmem:$0x10280] =	vst v63  }
0xd6: {  	p0 =	sne.s32 s11, $0x1;
	_ =	swait.ge [sflag:s28], $0x8000  }
.Ltmp0:
0xd7: {  	[sflag:s28] =	ssyncset.done $0x0;
	(pc) =	sbr.rel @p0 .LBB2_1-.Ltmp0, $4  }
0xd8: {  	[sflag:s28] =	ssyncadd.s32 $0xFFFF8000  }
0xd9: {  	_ =	swait.ge [sflag:s28], $0x8000  }
0xda: {  	[sflag:s28] =	ssyncset.done $0x0  }
0xdb: {  	s11 =	sadd.s32 $0xFFFFFFFF, s11;
	[sflag:s28] =	ssyncadd.s32 $0xFFFF8000  }
0xdc: {  	_ =	sfence.sel $0x180000  }
0xdd: {  	[bflag:$0x0] =	sbarrier.arrive $0xFFFF  }
0xde: {  	_ =	strace $0x90000047  }
0xdf: {  	s0 =	stileid.u32;
	[bflag:$0x2] =	sbarrier.arrive $0xFFFF  }
0xe0: {  	p0 =	sne.s32 s0, $0x0;
	s0 =	rddreg [dreg:$0x4]  }
0xe1: {  	s0 =	sadd.s32 @!p0 $0x100000, s0  }
0xe2: {  	[sflag:s0] =	ssyncadd.tile.s32 @!p0 $0x1;
	_ =	shalt  }
.Lfunc_end2:
_tile_overlayer_lowered:
.L_overlay_start_2:
0xe3: {  	(tag) =	ssettag $0x2  }
0xe4: {  	s0 =	rddreg [dreg:$0x0];
	s2 =	stileid.u32  }
0xe5: {  	s1 =	rddreg [dreg:$0x1];
	p0 =	sne.s32 s2, $0x0  }
0xe6: {  	s3 =	rddreg [dreg:$0x2];
	[bflag:$0x3] =	sbarrier.arrive $0xFFFF;
	s2 =	simm.s32 @!p0 $0x1C03  }
0xe7: {  	[timem:s3], [sflag:s2] =	dma.local @!p0 [hbm:s0], s1  }
0xe8: {  	s0 =	simm.s32 @!p0 $0x3  }
0xe9: {  	_ =	swait.ge @!p0 [sflag:s0], s1  }
0xea: {  	s1 =	ssub.s32 @!p0 $0x0, s1;
	[sflag:s0] =	ssyncset.done @!p0 $0x0  }
0xeb: {  	[sflag:s0] =	ssyncadd.s32 @!p0 s1  }
0xec: {  	[bflag:$0x3] =	sbarrier.arrive $0xFFFF  }
0xed: {  	_ =	shalt  }

</sc_bundles>
